<compile_context>
chip_gen: v7x
topology: tpu7x:2x2x1
jax: 0.10.2.dev20260603
libtpu: 0.0.44.dev20260713+nightly
codegen_flags: <defaults>
</compile_context>

<pallas_src>
import functools

import jax
import jax.numpy as jnp
from jax import lax
from jax.experimental import pallas as pl
from jax.experimental.pallas import tpu as pltpu
from jax.experimental.pallas import tpu_sc as plsc

_S3 = 8
_C = 128

_NW = 32
_PSTEP = 512
_IN_LEN = _PSTEP + 8


def _feat_body(f_ref, o_ref, sem):
    i = pl.program_id(0)
    b = f_ref.shape[0]
    cps = [
        pltpu.make_async_copy(f_ref, o_ref.at[pl.ds(i * b, b), j], sem)
        for j in range(_S3)
    ]
    for c in cps:
        c.start()
    for c in cps:
        c.wait()


def _coord_sc_body(c_hbm, o_hbm, cbuf, obuf):
    npar = c_hbm.shape[1]
    per_w = npar // _NW
    wid = lax.axis_index("s") * 2 + lax.axis_index("c")
    base = wid * per_w
    last = base + per_w - _PSTEP
    nsteps = -(-per_w // _PSTEP)

    lanes = lax.iota(jnp.int32, 16)
    pat = jnp.where(lanes < 8, 0, 1)
    offs = [((lanes & 7) >> (2 - k)) & 1 for k in range(3)]
    nvr = _S3 * _PSTEP // 16

    def step(s, _):
        p0 = jnp.minimum(base + s * _PSTEP, last)
        a0 = jnp.minimum((p0 // 8) * 8, npar - _IN_LEN)
        rel = p0 - a0
        for k in range(3):
            pltpu.sync_copy(
                c_hbm.at[k, pl.ds(a0, _IN_LEN)],
                cbuf.at[pl.ds(k * _IN_LEN, _IN_LEN)],
            )

        def vreg(v, _):
            q = 2 * v
            for k in range(3):
                idx = (k * _IN_LEN + q + rel) + pat
                val = plsc.load_gather(cbuf, [idx])
                obuf[k, pl.ds(v * 16, 16)] = val + val + offs[k]
            return 0

        lax.fori_loop(0, nvr, vreg, 0, unroll=2)
        t0 = _S3 * p0
        for k in range(3):
            pltpu.sync_copy(obuf.at[k], o_hbm.at[k, pl.ds(t0, _S3 * _PSTEP)])
        return 0

    lax.fori_loop(0, nsteps, step, 0)


def kernel(features, coords):
    n, c = features.shape
    bf = 25000
    fine3 = pl.pallas_call(
        _feat_body,
        grid=(n // bf,),
        in_specs=[pl.BlockSpec((bf, c), lambda i: (i, 0))],
        out_specs=pl.BlockSpec(memory_space=pl.ANY),
        out_shape=jax.ShapeDtypeStruct((n, _S3, c), jnp.float32),
        scratch_shapes=[pltpu.SemaphoreType.DMA],
    )(features)

    sc_coords = functools.partial(
        pl.kernel,
        out_type=jax.ShapeDtypeStruct((3, n * _S3), jnp.int32),
        mesh=plsc.VectorSubcoreMesh(core_axis_name="c", subcore_axis_name="s"),
        compiler_params=pltpu.CompilerParams(
            use_tc_tiling_on_sc=False, needs_layout_passes=False
        ),
        scratch_types=[
            pltpu.VMEM((3 * _IN_LEN,), jnp.int32),
            pltpu.VMEM((3, _S3 * _PSTEP), jnp.int32),
        ],
    )(_coord_sc_body)
    fine_t = sc_coords(coords.T)

    return fine3.reshape(n * _S3, c), fine_t.T

# --- scband reference (transcript-rebuilt; emitter-appended) ---
"""Pipeline reference for scband-upsampling-nearest-63496796504733 (READ-ONLY COPY).

The authoritative reference and input builder live on the scoring server;
editing this copy changes nothing except your own understanding.
"""

import jax, jax.numpy as jnp
import numpy as np

SCALE = 2


def setup_inputs(seed: int = 0) -> dict:
    key = jax.random.key(seed)
    k1, k2 = jax.random.split(key)
    features = jax.random.normal(k1, (100000, 128), dtype=jnp.float32)
    coords = jax.random.randint(k2, (100000, 3), 0, 512, dtype=jnp.int32)
    return {"features": features, "coords": coords}


def reference(features, coords):
    # Faithful translation of fvdb GridBatch.subdivide with nearest upsampling:
    # each active (parent) voxel with integer coordinate `c` and feature `f`
    # produces scale_factor**3 child voxels at coordinates c*s + off for every
    # offset off in [0, s)^3, each carrying a copy of the parent feature
    # (nearest-neighbor upsampling). No mask / ref_fine_data branch (both None).
    s = SCALE
    N, C = features.shape
    ar = jnp.arange(s)
    offs = jnp.stack(jnp.meshgrid(ar, ar, ar, indexing="ij"), axis=-1).reshape(-1, 3)  # [s^3, 3]
    fine_coords = (coords[:, None, :].astype(jnp.int32) * s + offs[None, :, :].astype(jnp.int32)).reshape(-1, 3)
    # nearest upsample of features: gather each parent feature s^3 times
    idx = jnp.repeat(jnp.arange(N), s ** 3)
    fine_feats = jnp.take(features, idx, axis=0)  # [N * s^3, C]
    return fine_feats, fine_coords

if __name__ == "__main__":
    import jax
    _d = setup_inputs()
    print(jax.jit(kernel)(*tuple(_d.values())))

</pallas_src>

<mosaic_0001>
#map = affine_map<(d0, d1) -> (0, 0)>
module attributes {stable_mosaic.version = 14 : i64} {
  func.func @_coord_sc_body(%arg0: i32, %arg1: i32, %arg2: memref<3x100000xi32, #tpu.memory_space<hbm>>, %arg3: memref<3x800000xi32, #tpu.memory_space<hbm>>, %arg4: memref<1560xi32, #tpu.memory_space<vmem>>, %arg5: memref<3x4096xi32, #tpu.memory_space<vmem>>) attributes {dimension_semantics = [#tpu.dimension_semantics<core_parallel>, #tpu.dimension_semantics<subcore_parallel>], iteration_bounds = array<i64: 2, 16>, scalar_prefetch = 0 : i64, scratch_operands = 2 : i64, tpu.core_type = #tpu.core_type<sc_vector_subcore>, window_params = [{transform_indices = #map}, {transform_indices = #map}]} {
    %mul3A = arith.constant 2 : i32
    %mul3A_0 = arith.muli %arg1, %mul3A : i32
    %add3A = arith.addi %mul3A_0, %arg0 : i32
    %mul3A_1 = arith.constant 3125 : i32
    %mul3A_2 = arith.muli %add3A, %mul3A_1 : i32
    %add3A_3 = arith.constant 3125 : i32
    %add3A_4 = arith.addi %mul3A_2, %add3A_3 : i32
    %sub3A = arith.constant 512 : i32
    %sub3A_5 = arith.subi %add3A_4, %sub3A : i32
    %iota3A = tpu.iota {dimensions = array<i32: 0>} : vector<16xi32>
    %lt3A = arith.constant 8 : i32
    %lt3A_6 = vector.broadcast %lt3A : i32 to vector<16xi32>
    %lt3A_7 = arith.cmpi slt, %iota3A, %lt3A_6 : vector<16xi32>
    %jit3A = arith.constant 0 : i32
    %jit3A_8 = arith.constant 1 : i32
    %broadcast_in_dim3A = vector.broadcast %jit3A : i32 to vector<16xi32>
    %broadcast_in_dim3A_9 = vector.broadcast %jit3A_8 : i32 to vector<16xi32>
    %select_n3A = arith.select %lt3A_7, %broadcast_in_dim3A, %broadcast_in_dim3A_9 : vector<16xi1>, vector<16xi32>
    %and3A = arith.constant 7 : i32
    %and3A_10 = vector.broadcast %and3A : i32 to vector<16xi32>
    %and3A_11 = arith.andi %iota3A, %and3A_10 : vector<16xi32>
    %shift_right_arithmetic3A = arith.constant 2 : i32
    %shift_right_arithmetic3A_12 = vector.broadcast %shift_right_arithmetic3A : i32 to vector<16xi32>
    %shift_right_arithmetic3A_13 = arith.shrsi %and3A_11, %shift_right_arithmetic3A_12 : vector<16xi32>
    %and3A_14 = arith.constant 1 : i32
    %and3A_15 = vector.broadcast %and3A_14 : i32 to vector<16xi32>
    %and3A_16 = arith.andi %shift_right_arithmetic3A_13, %and3A_15 : vector<16xi32>
    %and3A_17 = arith.constant 7 : i32
    %and3A_18 = vector.broadcast %and3A_17 : i32 to vector<16xi32>
    %and3A_19 = arith.andi %iota3A, %and3A_18 : vector<16xi32>
    %shift_right_arithmetic3A_20 = arith.constant 1 : i32
    %shift_right_arithmetic3A_21 = vector.broadcast %shift_right_arithmetic3A_20 : i32 to vector<16xi32>
    %shift_right_arithmetic3A_22 = arith.shrsi %and3A_19, %shift_right_arithmetic3A_21 : vector<16xi32>
    %and3A_23 = arith.constant 1 : i32
    %and3A_24 = vector.broadcast %and3A_23 : i32 to vector<16xi32>
    %and3A_25 = arith.andi %shift_right_arithmetic3A_22, %and3A_24 : vector<16xi32>
    %and3A_26 = arith.constant 7 : i32
    %and3A_27 = vector.broadcast %and3A_26 : i32 to vector<16xi32>
    %and3A_28 = arith.andi %iota3A, %and3A_27 : vector<16xi32>
    %shift_right_arithmetic3A_29 = arith.constant 0 : i32
    %shift_right_arithmetic3A_30 = vector.broadcast %shift_right_arithmetic3A_29 : i32 to vector<16xi32>
    %shift_right_arithmetic3A_31 = arith.shrsi %and3A_28, %shift_right_arithmetic3A_30 : vector<16xi32>
    %and3A_32 = arith.constant 1 : i32
    %and3A_33 = vector.broadcast %and3A_32 : i32 to vector<16xi32>
    %and3A_34 = arith.andi %shift_right_arithmetic3A_31, %and3A_33 : vector<16xi32>
    %scan3A = arith.constant 0 : i32
    %scan3A_35 = arith.constant 0 : i32
    %scan3A_36 = arith.constant 7 : i32
    %scan3A_37 = arith.addi %scan3A_35, %scan3A_36 : i32
    %scan3A_38 = arith.constant 1 : i32
    %scan3A_39 = scf.for %scan3A_41 = %scan3A_35 to %scan3A_37 step %scan3A_38 iter_args(%scan3A_42 = %scan3A) -> (i32)  : i32 {
      %mul3A_43 = arith.constant 512 : i32
      %mul3A_44 = arith.muli %scan3A_41, %mul3A_43 : i32
      %add3A_45 = arith.addi %mul3A_2, %mul3A_44 : i32
      %min3A = arith.minsi %add3A_45, %sub3A_5 : i32
      %jit3A_46 = arith.constant 8 : i32
      %div3A = arith.divsi %min3A, %jit3A_46 : i32
      %sign3A = arith.constant 0 : i32
      %sign3A_47 = arith.cmpi sgt, %min3A, %sign3A : i32
      %sign3A_48 = arith.extui %sign3A_47 : i1 to i32
      %sign3A_49 = arith.constant 0 : i32
      %sign3A_50 = arith.cmpi slt, %min3A, %sign3A_49 : i32
      %sign3A_51 = arith.extui %sign3A_50 : i1 to i32
      %sign3A_52 = arith.subi %sign3A_48, %sign3A_51 : i32
      %sign3A_53 = arith.constant 0 : i32
      %sign3A_54 = arith.cmpi sgt, %jit3A_46, %sign3A_53 : i32
      %sign3A_55 = arith.extui %sign3A_54 : i1 to i32
      %sign3A_56 = arith.constant 0 : i32
      %sign3A_57 = arith.cmpi slt, %jit3A_46, %sign3A_56 : i32
      %sign3A_58 = arith.extui %sign3A_57 : i1 to i32
      %sign3A_59 = arith.subi %sign3A_55, %sign3A_58 : i32
      %ne3A = arith.cmpi ne, %sign3A_52, %sign3A_59 : i32
      %rem3A = arith.remsi %min3A, %jit3A_46 : i32
      %ne3A_60 = arith.constant 0 : i32
      %ne3A_61 = arith.cmpi ne, %rem3A, %ne3A_60 : i32
      %and3A_62 = arith.andi %ne3A, %ne3A_61 : i1
      %sub3A_63 = arith.constant 1 : i32
      %sub3A_64 = arith.subi %div3A, %sub3A_63 : i32
      %select_n3A_65 = arith.select %and3A_62, %sub3A_64, %div3A : i32
      %mul3A_66 = arith.constant 8 : i32
      %mul3A_67 = arith.muli %select_n3A_65, %mul3A_66 : i32
      %min3A_68 = arith.constant 99480 : i32
      %min3A_69 = arith.minsi %mul3A_67, %min3A_68 : i32
      %sub3A_70 = arith.subi %min3A, %min3A_69 : i32
      %run_scoped3A = arith.constant 0 : i32
      "tpu.region"() ({
        %run_scoped3A_89 = tpu.sem_alloc : memref<!tpu.dma_semaphore, #tpu.memory_space<semaphore_mem>>
        %dma_start3A = arith.constant 0 : i32
        %dma_start3A_90 = tpu.memref_slice %arg4[%dma_start3A] : memref<1560xi32, #tpu.memory_space<vmem>> -> memref<520xi32, #tpu.memory_space<vmem>>
        %dma_start3A_91 = tpu.memref_slice %arg2[%run_scoped3A, %min3A_69] : memref<3x100000xi32, #tpu.memory_space<hbm>> -> memref<1x520xi32, #tpu.memory_space<hbm>>
        %dma_start3A_92 = tpu.memref_squeeze %dma_start3A_91 : memref<1x520xi32, #tpu.memory_space<hbm>> -> memref<520xi32, #tpu.memory_space<hbm>>
        %dma_start3A_93 = arith.constant 0 : i32
        %dma_start3A_94 = tpu.memref_slice %arg4[%dma_start3A_93] : memref<1560xi32, #tpu.memory_space<vmem>> -> memref<520xi32, #tpu.memory_space<vmem>>
        %dma_start3A_95 = tpu.memref_slice %arg2[%run_scoped3A, %min3A_69] : memref<3x100000xi32, #tpu.memory_space<hbm>> -> memref<1x520xi32, #tpu.memory_space<hbm>>
        %dma_start3A_96 = tpu.memref_squeeze %dma_start3A_95 : memref<1x520xi32, #tpu.memory_space<hbm>> -> memref<520xi32, #tpu.memory_space<hbm>>
        tpu.enqueue_dma source(%dma_start3A_96 : memref<520xi32, #tpu.memory_space<hbm>>) target(%dma_start3A_94 : memref<520xi32, #tpu.memory_space<vmem>>) target_semaphore(%run_scoped3A_89 : memref<!tpu.dma_semaphore, #tpu.memory_space<semaphore_mem>>)
        %dma_wait3A = arith.constant 0 : i32
        %dma_wait3A_97 = tpu.memref_slice %arg4[%dma_wait3A] : memref<1560xi32, #tpu.memory_space<vmem>> -> memref<520xi32, #tpu.memory_space<vmem>>
        %dma_wait3A_98 = tpu.memref_slice %arg2[%run_scoped3A, %min3A_69] : memref<3x100000xi32, #tpu.memory_space<hbm>> -> memref<1x520xi32, #tpu.memory_space<hbm>>
        %dma_wait3A_99 = tpu.memref_squeeze %dma_wait3A_98 : memref<1x520xi32, #tpu.memory_space<hbm>> -> memref<520xi32, #tpu.memory_space<hbm>>
        %dma_wait3A_100 = arith.constant 0 : i32
        %dma_wait3A_101 = tpu.memref_slice %arg4[%dma_wait3A_100] : memref<1560xi32, #tpu.memory_space<vmem>> -> memref<520xi32, #tpu.memory_space<vmem>>
        %dma_wait3A_102 = tpu.memref_slice %arg2[%run_scoped3A, %min3A_69] : memref<3x100000xi32, #tpu.memory_space<hbm>> -> memref<1x520xi32, #tpu.memory_space<hbm>>
        %dma_wait3A_103 = tpu.memref_squeeze %dma_wait3A_102 : memref<1x520xi32, #tpu.memory_space<hbm>> -> memref<520xi32, #tpu.memory_space<hbm>>
        tpu.wait_dma2 semaphore(%run_scoped3A_89 : memref<!tpu.dma_semaphore, #tpu.memory_space<semaphore_mem>>) src(%dma_wait3A_103 : memref<520xi32, #tpu.memory_space<hbm>>) dst(%dma_wait3A_101 : memref<520xi32, #tpu.memory_space<vmem>>)
        tpu.yield
      }) : () -> ()
      %run_scoped3A_71 = arith.constant 1 : i32
      "tpu.region"() ({
        %run_scoped3A_89 = tpu.sem_alloc : memref<!tpu.dma_semaphore, #tpu.memory_space<semaphore_mem>>
        %dma_start3A = arith.constant 520 : i32
        %dma_start3A_90 = tpu.memref_slice %arg4[%dma_start3A] : memref<1560xi32, #tpu.memory_space<vmem>> -> memref<520xi32, #tpu.memory_space<vmem>>
        %dma_start3A_91 = tpu.memref_slice %arg2[%run_scoped3A_71, %min3A_69] : memref<3x100000xi32, #tpu.memory_space<hbm>> -> memref<1x520xi32, #tpu.memory_space<hbm>>
        %dma_start3A_92 = tpu.memref_squeeze %dma_start3A_91 : memref<1x520xi32, #tpu.memory_space<hbm>> -> memref<520xi32, #tpu.memory_space<hbm>>
        %dma_start3A_93 = arith.constant 520 : i32
        %dma_start3A_94 = tpu.memref_slice %arg4[%dma_start3A_93] : memref<1560xi32, #tpu.memory_space<vmem>> -> memref<520xi32, #tpu.memory_space<vmem>>
        %dma_start3A_95 = tpu.memref_slice %arg2[%run_scoped3A_71, %min3A_69] : memref<3x100000xi32, #tpu.memory_space<hbm>> -> memref<1x520xi32, #tpu.memory_space<hbm>>
        %dma_start3A_96 = tpu.memref_squeeze %dma_start3A_95 : memref<1x520xi32, #tpu.memory_space<hbm>> -> memref<520xi32, #tpu.memory_space<hbm>>
        tpu.enqueue_dma source(%dma_start3A_96 : memref<520xi32, #tpu.memory_space<hbm>>) target(%dma_start3A_94 : memref<520xi32, #tpu.memory_space<vmem>>) target_semaphore(%run_scoped3A_89 : memref<!tpu.dma_semaphore, #tpu.memory_space<semaphore_mem>>)
        %dma_wait3A = arith.constant 520 : i32
        %dma_wait3A_97 = tpu.memref_slice %arg4[%dma_wait3A] : memref<1560xi32, #tpu.memory_space<vmem>> -> memref<520xi32, #tpu.memory_space<vmem>>
        %dma_wait3A_98 = tpu.memref_slice %arg2[%run_scoped3A_71, %min3A_69] : memref<3x100000xi32, #tpu.memory_space<hbm>> -> memref<1x520xi32, #tpu.memory_space<hbm>>
        %dma_wait3A_99 = tpu.memref_squeeze %dma_wait3A_98 : memref<1x520xi32, #tpu.memory_space<hbm>> -> memref<520xi32, #tpu.memory_space<hbm>>
        %dma_wait3A_100 = arith.constant 520 : i32
        %dma_wait3A_101 = tpu.memref_slice %arg4[%dma_wait3A_100] : memref<1560xi32, #tpu.memory_space<vmem>> -> memref<520xi32, #tpu.memory_space<vmem>>
        %dma_wait3A_102 = tpu.memref_slice %arg2[%run_scoped3A_71, %min3A_69] : memref<3x100000xi32, #tpu.memory_space<hbm>> -> memref<1x520xi32, #tpu.memory_space<hbm>>
        %dma_wait3A_103 = tpu.memref_squeeze %dma_wait3A_102 : memref<1x520xi32, #tpu.memory_space<hbm>> -> memref<520xi32, #tpu.memory_space<hbm>>
        tpu.wait_dma2 semaphore(%run_scoped3A_89 : memref<!tpu.dma_semaphore, #tpu.memory_space<semaphore_mem>>) src(%dma_wait3A_103 : memref<520xi32, #tpu.memory_space<hbm>>) dst(%dma_wait3A_101 : memref<520xi32, #tpu.memory_space<vmem>>)
        tpu.yield
      }) : () -> ()
      %run_scoped3A_72 = arith.constant 2 : i32
      "tpu.region"() ({
        %run_scoped3A_89 = tpu.sem_alloc : memref<!tpu.dma_semaphore, #tpu.memory_space<semaphore_mem>>
        %dma_start3A = arith.constant 1040 : i32
        %dma_start3A_90 = tpu.memref_slice %arg4[%dma_start3A] : memref<1560xi32, #tpu.memory_space<vmem>> -> memref<520xi32, #tpu.memory_space<vmem>>
        %dma_start3A_91 = tpu.memref_slice %arg2[%run_scoped3A_72, %min3A_69] : memref<3x100000xi32, #tpu.memory_space<hbm>> -> memref<1x520xi32, #tpu.memory_space<hbm>>
        %dma_start3A_92 = tpu.memref_squeeze %dma_start3A_91 : memref<1x520xi32, #tpu.memory_space<hbm>> -> memref<520xi32, #tpu.memory_space<hbm>>
        %dma_start3A_93 = arith.constant 1040 : i32
        %dma_start3A_94 = tpu.memref_slice %arg4[%dma_start3A_93] : memref<1560xi32, #tpu.memory_space<vmem>> -> memref<520xi32, #tpu.memory_space<vmem>>
        %dma_start3A_95 = tpu.memref_slice %arg2[%run_scoped3A_72, %min3A_69] : memref<3x100000xi32, #tpu.memory_space<hbm>> -> memref<1x520xi32, #tpu.memory_space<hbm>>
        %dma_start3A_96 = tpu.memref_squeeze %dma_start3A_95 : memref<1x520xi32, #tpu.memory_space<hbm>> -> memref<520xi32, #tpu.memory_space<hbm>>
        tpu.enqueue_dma source(%dma_start3A_96 : memref<520xi32, #tpu.memory_space<hbm>>) target(%dma_start3A_94 : memref<520xi32, #tpu.memory_space<vmem>>) target_semaphore(%run_scoped3A_89 : memref<!tpu.dma_semaphore, #tpu.memory_space<semaphore_mem>>)
        %dma_wait3A = arith.constant 1040 : i32
        %dma_wait3A_97 = tpu.memref_slice %arg4[%dma_wait3A] : memref<1560xi32, #tpu.memory_space<vmem>> -> memref<520xi32, #tpu.memory_space<vmem>>
        %dma_wait3A_98 = tpu.memref_slice %arg2[%run_scoped3A_72, %min3A_69] : memref<3x100000xi32, #tpu.memory_space<hbm>> -> memref<1x520xi32, #tpu.memory_space<hbm>>
        %dma_wait3A_99 = tpu.memref_squeeze %dma_wait3A_98 : memref<1x520xi32, #tpu.memory_space<hbm>> -> memref<520xi32, #tpu.memory_space<hbm>>
        %dma_wait3A_100 = arith.constant 1040 : i32
        %dma_wait3A_101 = tpu.memref_slice %arg4[%dma_wait3A_100] : memref<1560xi32, #tpu.memory_space<vmem>> -> memref<520xi32, #tpu.memory_space<vmem>>
        %dma_wait3A_102 = tpu.memref_slice %arg2[%run_scoped3A_72, %min3A_69] : memref<3x100000xi32, #tpu.memory_space<hbm>> -> memref<1x520xi32, #tpu.memory_space<hbm>>
        %dma_wait3A_103 = tpu.memref_squeeze %dma_wait3A_102 : memref<1x520xi32, #tpu.memory_space<hbm>> -> memref<520xi32, #tpu.memory_space<hbm>>
        tpu.wait_dma2 semaphore(%run_scoped3A_89 : memref<!tpu.dma_semaphore, #tpu.memory_space<semaphore_mem>>) src(%dma_wait3A_103 : memref<520xi32, #tpu.memory_space<hbm>>) dst(%dma_wait3A_101 : memref<520xi32, #tpu.memory_space<vmem>>)
        tpu.yield
      }) : () -> ()
      %scan3A_73 = arith.constant 0 : i32
      %scan3A_74 = arith.constant 0 : i32
      %scan3A_75 = arith.constant 256 : i32
      %scan3A_76 = arith.addi %scan3A_74, %scan3A_75 : i32
      %scan3A_77 = arith.constant 2 : i32
      %scan3A_78 = scf.for %scan3A_89 = %scan3A_74 to %scan3A_76 step %scan3A_77 iter_args(%scan3A_90 = %scan3A_73) -> (i32)  : i32 {
        %mul3A_91 = arith.constant 2 : i32
        %mul3A_92 = arith.muli %mul3A_91, %scan3A_89 : i32
        %add3A_93 = arith.constant 0 : i32
        %add3A_94 = arith.addi %add3A_93, %mul3A_92 : i32
        %add3A_95 = arith.addi %add3A_94, %sub3A_70 : i32
        %add3A_96 = vector.broadcast %add3A_95 : i32 to vector<16xi32>
        %add3A_97 = arith.addi %add3A_96, %select_n3A : vector<16xi32>
        %gather3A = tpu.vector_load_idx %arg4[%add3A_97] : memref<1560xi32, #tpu.memory_space<vmem>>[vector<16xi32>], vector<16xi32>,
        %add3A_98 = arith.addi %gather3A, %gather3A : vector<16xi32>
        %add3A_99 = arith.addi %add3A_98, %and3A_16 : vector<16xi32>
        %mul3A_100 = arith.constant 16 : i32
        %mul3A_101 = arith.muli %scan3A_89, %mul3A_100 : i32
        %swap3A = arith.constant 0 : i32
        %swap3A_102 = arith.index_cast %swap3A : i32 to index
        %swap3A_103 = arith.index_cast %mul3A_101 : i32 to index
        %swap3A_104 = tpu.vector_load %arg5[%swap3A_102, %swap3A_103] {strides = array<i32>} : memref<3x4096xi32, #tpu.memory_space<vmem>>, vector<16xi32>,
        tpu.vector_store %arg5[%swap3A_102, %swap3A_103], %add3A_99 {strides = array<i32>} : memref<3x4096xi32, #tpu.memory_space<vmem>>, vector<16xi32>,
        %add3A_105 = arith.constant 520 : i32
        %add3A_106 = arith.addi %add3A_105, %mul3A_92 : i32
        %add3A_107 = arith.addi %add3A_106, %sub3A_70 : i32
        %add3A_108 = vector.broadcast %add3A_107 : i32 to vector<16xi32>
        %add3A_109 = arith.addi %add3A_108, %select_n3A : vector<16xi32>
        %gather3A_110 = tpu.vector_load_idx %arg4[%add3A_109] : memref<1560xi32, #tpu.memory_space<vmem>>[vector<16xi32>], vector<16xi32>,
        %add3A_111 = arith.addi %gather3A_110, %gather3A_110 : vector<16xi32>
        %add3A_112 = arith.addi %add3A_111, %and3A_25 : vector<16xi32>
        %mul3A_113 = arith.constant 16 : i32
        %mul3A_114 = arith.muli %scan3A_89, %mul3A_113 : i32
        %swap3A_115 = arith.constant 1 : i32
        %swap3A_116 = arith.index_cast %swap3A_115 : i32 to index
        %swap3A_117 = arith.index_cast %mul3A_114 : i32 to index
        %swap3A_118 = tpu.vector_load %arg5[%swap3A_116, %swap3A_117] {strides = array<i32>} : memref<3x4096xi32, #tpu.memory_space<vmem>>, vector<16xi32>,
        tpu.vector_store %arg5[%swap3A_116, %swap3A_117], %add3A_112 {strides = array<i32>} : memref<3x4096xi32, #tpu.memory_space<vmem>>, vector<16xi32>,
        %add3A_119 = arith.constant 1040 : i32
        %add3A_120 = arith.addi %add3A_119, %mul3A_92 : i32
        %add3A_121 = arith.addi %add3A_120, %sub3A_70 : i32
        %add3A_122 = vector.broadcast %add3A_121 : i32 to vector<16xi32>
        %add3A_123 = arith.addi %add3A_122, %select_n3A : vector<16xi32>
        %gather3A_124 = tpu.vector_load_idx %arg4[%add3A_123] : memref<1560xi32, #tpu.memory_space<vmem>>[vector<16xi32>], vector<16xi32>,
        %add3A_125 = arith.addi %gather3A_124, %gather3A_124 : vector<16xi32>
        %add3A_126 = arith.addi %add3A_125, %and3A_34 : vector<16xi32>
        %mul3A_127 = arith.constant 16 : i32
        %mul3A_128 = arith.muli %scan3A_89, %mul3A_127 : i32
        %swap3A_129 = arith.constant 2 : i32
        %swap3A_130 = arith.index_cast %swap3A_129 : i32 to index
        %swap3A_131 = arith.index_cast %mul3A_128 : i32 to index
        %swap3A_132 = tpu.vector_load %arg5[%swap3A_130, %swap3A_131] {strides = array<i32>} : memref<3x4096xi32, #tpu.memory_space<vmem>>, vector<16xi32>,
        tpu.vector_store %arg5[%swap3A_130, %swap3A_131], %add3A_126 {strides = array<i32>} : memref<3x4096xi32, #tpu.memory_space<vmem>>, vector<16xi32>,
        %scan3A_133 = arith.constant 0 : i32
        %scan3A_134 = arith.constant 1 : i32
        %scan3A_135 = arith.addi %scan3A_89, %scan3A_134 : i32
        %mul3A_136 = arith.constant 2 : i32
        %mul3A_137 = arith.muli %mul3A_136, %scan3A_135 : i32
        %add3A_138 = arith.constant 0 : i32
        %add3A_139 = arith.addi %add3A_138, %mul3A_137 : i32
        %add3A_140 = arith.addi %add3A_139, %sub3A_70 : i32
        %add3A_141 = vector.broadcast %add3A_140 : i32 to vector<16xi32>
        %add3A_142 = arith.addi %add3A_141, %select_n3A : vector<16xi32>
        %gather3A_143 = tpu.vector_load_idx %arg4[%add3A_142] : memref<1560xi32, #tpu.memory_space<vmem>>[vector<16xi32>], vector<16xi32>,
        %add3A_144 = arith.addi %gather3A_143, %gather3A_143 : vector<16xi32>
        %add3A_145 = arith.addi %add3A_144, %and3A_16 : vector<16xi32>
        %mul3A_146 = arith.constant 16 : i32
        %mul3A_147 = arith.muli %scan3A_135, %mul3A_146 : i32
        %swap3A_148 = arith.constant 0 : i32
        %swap3A_149 = arith.index_cast %swap3A_148 : i32 to index
        %swap3A_150 = arith.index_cast %mul3A_147 : i32 to index
        %swap3A_151 = tpu.vector_load %arg5[%swap3A_149, %swap3A_150] {strides = array<i32>} : memref<3x4096xi32, #tpu.memory_space<vmem>>, vector<16xi32>,
        tpu.vector_store %arg5[%swap3A_149, %swap3A_150], %add3A_145 {strides = array<i32>} : memref<3x4096xi32, #tpu.memory_space<vmem>>, vector<16xi32>,
        %add3A_152 = arith.constant 520 : i32
        %add3A_153 = arith.addi %add3A_152, %mul3A_137 : i32
        %add3A_154 = arith.addi %add3A_153, %sub3A_70 : i32
        %add3A_155 = vector.broadcast %add3A_154 : i32 to vector<16xi32>
        %add3A_156 = arith.addi %add3A_155, %select_n3A : vector<16xi32>
        %gather3A_157 = tpu.vector_load_idx %arg4[%add3A_156] : memref<1560xi32, #tpu.memory_space<vmem>>[vector<16xi32>], vector<16xi32>,
        %add3A_158 = arith.addi %gather3A_157, %gather3A_157 : vector<16xi32>
        %add3A_159 = arith.addi %add3A_158, %and3A_25 : vector<16xi32>
        %mul3A_160 = arith.constant 16 : i32
        %mul3A_161 = arith.muli %scan3A_135, %mul3A_160 : i32
        %swap3A_162 = arith.constant 1 : i32
        %swap3A_163 = arith.index_cast %swap3A_162 : i32 to index
        %swap3A_164 = arith.index_cast %mul3A_161 : i32 to index
        %swap3A_165 = tpu.vector_load %arg5[%swap3A_163, %swap3A_164] {strides = array<i32>} : memref<3x4096xi32, #tpu.memory_space<vmem>>, vector<16xi32>,
        tpu.vector_store %arg5[%swap3A_163, %swap3A_164], %add3A_159 {strides = array<i32>} : memref<3x4096xi32, #tpu.memory_space<vmem>>, vector<16xi32>,
        %add3A_166 = arith.constant 1040 : i32
        %add3A_167 = arith.addi %add3A_166, %mul3A_137 : i32
        %add3A_168 = arith.addi %add3A_167, %sub3A_70 : i32
        %add3A_169 = vector.broadcast %add3A_168 : i32 to vector<16xi32>
        %add3A_170 = arith.addi %add3A_169, %select_n3A : vector<16xi32>
        %gather3A_171 = tpu.vector_load_idx %arg4[%add3A_170] : memref<1560xi32, #tpu.memory_space<vmem>>[vector<16xi32>], vector<16xi32>,
        %add3A_172 = arith.addi %gather3A_171, %gather3A_171 : vector<16xi32>
        %add3A_173 = arith.addi %add3A_172, %and3A_34 : vector<16xi32>
        %mul3A_174 = arith.constant 16 : i32
        %mul3A_175 = arith.muli %scan3A_135, %mul3A_174 : i32
        %swap3A_176 = arith.constant 2 : i32
        %swap3A_177 = arith.index_cast %swap3A_176 : i32 to index
        %swap3A_178 = arith.index_cast %mul3A_175 : i32 to index
        %swap3A_179 = tpu.vector_load %arg5[%swap3A_177, %swap3A_178] {strides = array<i32>} : memref<3x4096xi32, #tpu.memory_space<vmem>>, vector<16xi32>,
        tpu.vector_store %arg5[%swap3A_177, %swap3A_178], %add3A_173 {strides = array<i32>} : memref<3x4096xi32, #tpu.memory_space<vmem>>, vector<16xi32>,
        %scan3A_180 = arith.constant 0 : i32
        scf.yield %scan3A_180 : i32
      }
      %scan3A_79 = arith.constant 256 : i32
      %mul3A_80 = arith.constant 8 : i32
      %mul3A_81 = arith.muli %mul3A_80, %min3A : i32
      %run_scoped3A_82 = arith.constant 0 : i32
      %run_scoped3A_83 = arith.constant 0 : i32
      "tpu.region"() ({
        %run_scoped3A_89 = tpu.sem_alloc : memref<!tpu.dma_semaphore, #tpu.memory_space<semaphore_mem>>
        %dma_start3A = arith.constant 0 : i32
        %dma_start3A_90 = tpu.memref_slice %arg5[%run_scoped3A_82, %dma_start3A] : memref<3x4096xi32, #tpu.memory_space<vmem>> -> memref<1x4096xi32, #tpu.memory_space<vmem>>
        %dma_start3A_91 = tpu.memref_squeeze %dma_start3A_90 : memref<1x4096xi32, #tpu.memory_space<vmem>> -> memref<4096xi32, #tpu.memory_space<vmem>>
        %dma_start3A_92 = tpu.memref_slice %arg3[%run_scoped3A_83, %mul3A_81] : memref<3x800000xi32, #tpu.memory_space<hbm>> -> memref<1x4096xi32, #tpu.memory_space<hbm>>
        %dma_start3A_93 = tpu.memref_squeeze %dma_start3A_92 : memref<1x4096xi32, #tpu.memory_space<hbm>> -> memref<4096xi32, #tpu.memory_space<hbm>>
        %dma_start3A_94 = tpu.memref_slice %arg3[%run_scoped3A_83, %mul3A_81] : memref<3x800000xi32, #tpu.memory_space<hbm>> -> memref<1x4096xi32, #tpu.memory_space<hbm>>
        %dma_start3A_95 = tpu.memref_squeeze %dma_start3A_94 : memref<1x4096xi32, #tpu.memory_space<hbm>> -> memref<4096xi32, #tpu.memory_space<hbm>>
        %dma_start3A_96 = arith.constant 0 : i32
        %dma_start3A_97 = tpu.memref_slice %arg5[%run_scoped3A_82, %dma_start3A_96] : memref<3x4096xi32, #tpu.memory_space<vmem>> -> memref<1x4096xi32, #tpu.memory_space<vmem>>
        %dma_start3A_98 = tpu.memref_squeeze %dma_start3A_97 : memref<1x4096xi32, #tpu.memory_space<vmem>> -> memref<4096xi32, #tpu.memory_space<vmem>>
        tpu.enqueue_dma source(%dma_start3A_98 : memref<4096xi32, #tpu.memory_space<vmem>>) target(%dma_start3A_95 : memref<4096xi32, #tpu.memory_space<hbm>>) target_semaphore(%run_scoped3A_89 : memref<!tpu.dma_semaphore, #tpu.memory_space<semaphore_mem>>)
        %dma_wait3A = arith.constant 0 : i32
        %dma_wait3A_99 = tpu.memref_slice %arg5[%run_scoped3A_82, %dma_wait3A] : memref<3x4096xi32, #tpu.memory_space<vmem>> -> memref<1x4096xi32, #tpu.memory_space<vmem>>
        %dma_wait3A_100 = tpu.memref_squeeze %dma_wait3A_99 : memref<1x4096xi32, #tpu.memory_space<vmem>> -> memref<4096xi32, #tpu.memory_space<vmem>>
        %dma_wait3A_101 = tpu.memref_slice %arg3[%run_scoped3A_83, %mul3A_81] : memref<3x800000xi32, #tpu.memory_space<hbm>> -> memref<1x4096xi32, #tpu.memory_space<hbm>>
        %dma_wait3A_102 = tpu.memref_squeeze %dma_wait3A_101 : memref<1x4096xi32, #tpu.memory_space<hbm>> -> memref<4096xi32, #tpu.memory_space<hbm>>
        %dma_wait3A_103 = tpu.memref_slice %arg3[%run_scoped3A_83, %mul3A_81] : memref<3x800000xi32, #tpu.memory_space<hbm>> -> memref<1x4096xi32, #tpu.memory_space<hbm>>
        %dma_wait3A_104 = tpu.memref_squeeze %dma_wait3A_103 : memref<1x4096xi32, #tpu.memory_space<hbm>> -> memref<4096xi32, #tpu.memory_space<hbm>>
        %dma_wait3A_105 = arith.constant 0 : i32
        %dma_wait3A_106 = tpu.memref_slice %arg5[%run_scoped3A_82, %dma_wait3A_105] : memref<3x4096xi32, #tpu.memory_space<vmem>> -> memref<1x4096xi32, #tpu.memory_space<vmem>>
        %dma_wait3A_107 = tpu.memref_squeeze %dma_wait3A_106 : memref<1x4096xi32, #tpu.memory_space<vmem>> -> memref<4096xi32, #tpu.memory_space<vmem>>
        tpu.wait_dma2 semaphore(%run_scoped3A_89 : memref<!tpu.dma_semaphore, #tpu.memory_space<semaphore_mem>>) src(%dma_wait3A_107 : memref<4096xi32, #tpu.memory_space<vmem>>) dst(%dma_wait3A_104 : memref<4096xi32, #tpu.memory_space<hbm>>)
        tpu.yield
      }) : () -> ()
      %run_scoped3A_84 = arith.constant 1 : i32
      %run_scoped3A_85 = arith.constant 1 : i32
      "tpu.region"() ({
        %run_scoped3A_89 = tpu.sem_alloc : memref<!tpu.dma_semaphore, #tpu.memory_space<semaphore_mem>>
        %dma_start3A = arith.constant 0 : i32
        %dma_start3A_90 = tpu.memref_slice %arg5[%run_scoped3A_84, %dma_start3A] : memref<3x4096xi32, #tpu.memory_space<vmem>> -> memref<1x4096xi32, #tpu.memory_space<vmem>>
        %dma_start3A_91 = tpu.memref_squeeze %dma_start3A_90 : memref<1x4096xi32, #tpu.memory_space<vmem>> -> memref<4096xi32, #tpu.memory_space<vmem>>
        %dma_start3A_92 = tpu.memref_slice %arg3[%run_scoped3A_85, %mul3A_81] : memref<3x800000xi32, #tpu.memory_space<hbm>> -> memref<1x4096xi32, #tpu.memory_space<hbm>>
        %dma_start3A_93 = tpu.memref_squeeze %dma_start3A_92 : memref<1x4096xi32, #tpu.memory_space<hbm>> -> memref<4096xi32, #tpu.memory_space<hbm>>
        %dma_start3A_94 = tpu.memref_slice %arg3[%run_scoped3A_85, %mul3A_81] : memref<3x800000xi32, #tpu.memory_space<hbm>> -> memref<1x4096xi32, #tpu.memory_space<hbm>>
        %dma_start3A_95 = tpu.memref_squeeze %dma_start3A_94 : memref<1x4096xi32, #tpu.memory_space<hbm>> -> memref<4096xi32, #tpu.memory_space<hbm>>
        %dma_start3A_96 = arith.constant 0 : i32
        %dma_start3A_97 = tpu.memref_slice %arg5[%run_scoped3A_84, %dma_start3A_96] : memref<3x4096xi32, #tpu.memory_space<vmem>> -> memref<1x4096xi32, #tpu.memory_space<vmem>>
        %dma_start3A_98 = tpu.memref_squeeze %dma_start3A_97 : memref<1x4096xi32, #tpu.memory_space<vmem>> -> memref<4096xi32, #tpu.memory_space<vmem>>
        tpu.enqueue_dma source(%dma_start3A_98 : memref<4096xi32, #tpu.memory_space<vmem>>) target(%dma_start3A_95 : memref<4096xi32, #tpu.memory_space<hbm>>) target_semaphore(%run_scoped3A_89 : memref<!tpu.dma_semaphore, #tpu.memory_space<semaphore_mem>>)
        %dma_wait3A = arith.constant 0 : i32
        %dma_wait3A_99 = tpu.memref_slice %arg5[%run_scoped3A_84, %dma_wait3A] : memref<3x4096xi32, #tpu.memory_space<vmem>> -> memref<1x4096xi32, #tpu.memory_space<vmem>>
        %dma_wait3A_100 = tpu.memref_squeeze %dma_wait3A_99 : memref<1x4096xi32, #tpu.memory_space<vmem>> -> memref<4096xi32, #tpu.memory_space<vmem>>
        %dma_wait3A_101 = tpu.memref_slice %arg3[%run_scoped3A_85, %mul3A_81] : memref<3x800000xi32, #tpu.memory_space<hbm>> -> memref<1x4096xi32, #tpu.memory_space<hbm>>
        %dma_wait3A_102 = tpu.memref_squeeze %dma_wait3A_101 : memref<1x4096xi32, #tpu.memory_space<hbm>> -> memref<4096xi32, #tpu.memory_space<hbm>>
        %dma_wait3A_103 = tpu.memref_slice %arg3[%run_scoped3A_85, %mul3A_81] : memref<3x800000xi32, #tpu.memory_space<hbm>> -> memref<1x4096xi32, #tpu.memory_space<hbm>>
        %dma_wait3A_104 = tpu.memref_squeeze %dma_wait3A_103 : memref<1x4096xi32, #tpu.memory_space<hbm>> -> memref<4096xi32, #tpu.memory_space<hbm>>
        %dma_wait3A_105 = arith.constant 0 : i32
        %dma_wait3A_106 = tpu.memref_slice %arg5[%run_scoped3A_84, %dma_wait3A_105] : memref<3x4096xi32, #tpu.memory_space<vmem>> -> memref<1x4096xi32, #tpu.memory_space<vmem>>
        %dma_wait3A_107 = tpu.memref_squeeze %dma_wait3A_106 : memref<1x4096xi32, #tpu.memory_space<vmem>> -> memref<4096xi32, #tpu.memory_space<vmem>>
        tpu.wait_dma2 semaphore(%run_scoped3A_89 : memref<!tpu.dma_semaphore, #tpu.memory_space<semaphore_mem>>) src(%dma_wait3A_107 : memref<4096xi32, #tpu.memory_space<vmem>>) dst(%dma_wait3A_104 : memref<4096xi32, #tpu.memory_space<hbm>>)
        tpu.yield
      }) : () -> ()
      %run_scoped3A_86 = arith.constant 2 : i32
      %run_scoped3A_87 = arith.constant 2 : i32
      "tpu.region"() ({
        %run_scoped3A_89 = tpu.sem_alloc : memref<!tpu.dma_semaphore, #tpu.memory_space<semaphore_mem>>
        %dma_start3A = arith.constant 0 : i32
        %dma_start3A_90 = tpu.memref_slice %arg5[%run_scoped3A_86, %dma_start3A] : memref<3x4096xi32, #tpu.memory_space<vmem>> -> memref<1x4096xi32, #tpu.memory_space<vmem>>
        %dma_start3A_91 = tpu.memref_squeeze %dma_start3A_90 : memref<1x4096xi32, #tpu.memory_space<vmem>> -> memref<4096xi32, #tpu.memory_space<vmem>>
        %dma_start3A_92 = tpu.memref_slice %arg3[%run_scoped3A_87, %mul3A_81] : memref<3x800000xi32, #tpu.memory_space<hbm>> -> memref<1x4096xi32, #tpu.memory_space<hbm>>
        %dma_start3A_93 = tpu.memref_squeeze %dma_start3A_92 : memref<1x4096xi32, #tpu.memory_space<hbm>> -> memref<4096xi32, #tpu.memory_space<hbm>>
        %dma_start3A_94 = tpu.memref_slice %arg3[%run_scoped3A_87, %mul3A_81] : memref<3x800000xi32, #tpu.memory_space<hbm>> -> memref<1x4096xi32, #tpu.memory_space<hbm>>
        %dma_start3A_95 = tpu.memref_squeeze %dma_start3A_94 : memref<1x4096xi32, #tpu.memory_space<hbm>> -> memref<4096xi32, #tpu.memory_space<hbm>>
        %dma_start3A_96 = arith.constant 0 : i32
        %dma_start3A_97 = tpu.memref_slice %arg5[%run_scoped3A_86, %dma_start3A_96] : memref<3x4096xi32, #tpu.memory_space<vmem>> -> memref<1x4096xi32, #tpu.memory_space<vmem>>
        %dma_start3A_98 = tpu.memref_squeeze %dma_start3A_97 : memref<1x4096xi32, #tpu.memory_space<vmem>> -> memref<4096xi32, #tpu.memory_space<vmem>>
        tpu.enqueue_dma source(%dma_start3A_98 : memref<4096xi32, #tpu.memory_space<vmem>>) target(%dma_start3A_95 : memref<4096xi32, #tpu.memory_space<hbm>>) target_semaphore(%run_scoped3A_89 : memref<!tpu.dma_semaphore, #tpu.memory_space<semaphore_mem>>)
        %dma_wait3A = arith.constant 0 : i32
        %dma_wait3A_99 = tpu.memref_slice %arg5[%run_scoped3A_86, %dma_wait3A] : memref<3x4096xi32, #tpu.memory_space<vmem>> -> memref<1x4096xi32, #tpu.memory_space<vmem>>
        %dma_wait3A_100 = tpu.memref_squeeze %dma_wait3A_99 : memref<1x4096xi32, #tpu.memory_space<vmem>> -> memref<4096xi32, #tpu.memory_space<vmem>>
        %dma_wait3A_101 = tpu.memref_slice %arg3[%run_scoped3A_87, %mul3A_81] : memref<3x800000xi32, #tpu.memory_space<hbm>> -> memref<1x4096xi32, #tpu.memory_space<hbm>>
        %dma_wait3A_102 = tpu.memref_squeeze %dma_wait3A_101 : memref<1x4096xi32, #tpu.memory_space<hbm>> -> memref<4096xi32, #tpu.memory_space<hbm>>
        %dma_wait3A_103 = tpu.memref_slice %arg3[%run_scoped3A_87, %mul3A_81] : memref<3x800000xi32, #tpu.memory_space<hbm>> -> memref<1x4096xi32, #tpu.memory_space<hbm>>
        %dma_wait3A_104 = tpu.memref_squeeze %dma_wait3A_103 : memref<1x4096xi32, #tpu.memory_space<hbm>> -> memref<4096xi32, #tpu.memory_space<hbm>>
        %dma_wait3A_105 = arith.constant 0 : i32
        %dma_wait3A_106 = tpu.memref_slice %arg5[%run_scoped3A_86, %dma_wait3A_105] : memref<3x4096xi32, #tpu.memory_space<vmem>> -> memref<1x4096xi32, #tpu.memory_space<vmem>>
        %dma_wait3A_107 = tpu.memref_squeeze %dma_wait3A_106 : memref<1x4096xi32, #tpu.memory_space<vmem>> -> memref<4096xi32, #tpu.memory_space<vmem>>
        tpu.wait_dma2 semaphore(%run_scoped3A_89 : memref<!tpu.dma_semaphore, #tpu.memory_space<semaphore_mem>>) src(%dma_wait3A_107 : memref<4096xi32, #tpu.memory_space<vmem>>) dst(%dma_wait3A_104 : memref<4096xi32, #tpu.memory_space<hbm>>)
        tpu.yield
      }) : () -> ()
      %scan3A_88 = arith.constant 0 : i32
      scf.yield %scan3A_88 : i32
    }
    %scan3A_40 = arith.constant 7 : i32
    return
  }
}

module attributes {stable_mosaic.version = 14 : i64} {
  func.func @_feat_body(%arg0: i32, %arg1: memref<25000x128xf32, #tpu.memory_space<vmem>>, %arg2: memref<100000x8x128xf32, #tpu.memory_space<any>>, %arg3: memref<!tpu.dma_semaphore, #tpu.memory_space<semaphore_mem>>) attributes {dimension_semantics = [#tpu.dimension_semantics<arbitrary>], iteration_bounds = array<i64: 4>, scalar_prefetch = 0 : i64, scratch_operands = 1 : i64, tpu.core_type = #tpu.core_type<tc>, window_params = [{transform_indices = @transform_0, window_bounds = array<i64: 25000, 128>}, {}]} {
    %mul3A = arith.constant 25000 : i32
    %mul3A_0 = arith.muli %arg0, %mul3A : i32
    %mul3A_1 = arith.constant 25000 : i32
    %mul3A_2 = arith.muli %arg0, %mul3A_1 : i32
    %mul3A_3 = arith.constant 25000 : i32
    %mul3A_4 = arith.muli %arg0, %mul3A_3 : i32
    %mul3A_5 = arith.constant 25000 : i32
    %mul3A_6 = arith.muli %arg0, %mul3A_5 : i32
    %mul3A_7 = arith.constant 25000 : i32
    %mul3A_8 = arith.muli %arg0, %mul3A_7 : i32
    %mul3A_9 = arith.constant 25000 : i32
    %mul3A_10 = arith.muli %arg0, %mul3A_9 : i32
    %mul3A_11 = arith.constant 25000 : i32
    %mul3A_12 = arith.muli %arg0, %mul3A_11 : i32
    %mul3A_13 = arith.constant 25000 : i32
    %mul3A_14 = arith.muli %arg0, %mul3A_13 : i32
    %dma_start3A = arith.constant 0 : i32
    %dma_start3A_15 = arith.constant 0 : i32
    %dma_start3A_16 = tpu.memref_slice %arg2[%mul3A_0, %dma_start3A, %dma_start3A_15] : memref<100000x8x128xf32, #tpu.memory_space<any>> -> memref<25000x1x128xf32, #tpu.memory_space<any>>
    %dma_start3A_17 = tpu.memref_squeeze %dma_start3A_16 : memref<25000x1x128xf32, #tpu.memory_space<any>> -> memref<25000x128xf32, #tpu.memory_space<any>>
    tpu.enqueue_dma source(%arg1 : memref<25000x128xf32, #tpu.memory_space<vmem>>) target(%dma_start3A_17 : memref<25000x128xf32, #tpu.memory_space<any>>) target_semaphore(%arg3 : memref<!tpu.dma_semaphore, #tpu.memory_space<semaphore_mem>>)
    %dma_start3A_18 = arith.constant 1 : i32
    %dma_start3A_19 = arith.constant 0 : i32
    %dma_start3A_20 = tpu.memref_slice %arg2[%mul3A_2, %dma_start3A_18, %dma_start3A_19] : memref<100000x8x128xf32, #tpu.memory_space<any>> -> memref<25000x1x128xf32, #tpu.memory_space<any>>
    %dma_start3A_21 = tpu.memref_squeeze %dma_start3A_20 : memref<25000x1x128xf32, #tpu.memory_space<any>> -> memref<25000x128xf32, #tpu.memory_space<any>>
    tpu.enqueue_dma source(%arg1 : memref<25000x128xf32, #tpu.memory_space<vmem>>) target(%dma_start3A_21 : memref<25000x128xf32, #tpu.memory_space<any>>) target_semaphore(%arg3 : memref<!tpu.dma_semaphore, #tpu.memory_space<semaphore_mem>>)
    %dma_start3A_22 = arith.constant 2 : i32
    %dma_start3A_23 = arith.constant 0 : i32
    %dma_start3A_24 = tpu.memref_slice %arg2[%mul3A_4, %dma_start3A_22, %dma_start3A_23] : memref<100000x8x128xf32, #tpu.memory_space<any>> -> memref<25000x1x128xf32, #tpu.memory_space<any>>
    %dma_start3A_25 = tpu.memref_squeeze %dma_start3A_24 : memref<25000x1x128xf32, #tpu.memory_space<any>> -> memref<25000x128xf32, #tpu.memory_space<any>>
    tpu.enqueue_dma source(%arg1 : memref<25000x128xf32, #tpu.memory_space<vmem>>) target(%dma_start3A_25 : memref<25000x128xf32, #tpu.memory_space<any>>) target_semaphore(%arg3 : memref<!tpu.dma_semaphore, #tpu.memory_space<semaphore_mem>>)
    %dma_start3A_26 = arith.constant 3 : i32
    %dma_start3A_27 = arith.constant 0 : i32
    %dma_start3A_28 = tpu.memref_slice %arg2[%mul3A_6, %dma_start3A_26, %dma_start3A_27] : memref<100000x8x128xf32, #tpu.memory_space<any>> -> memref<25000x1x128xf32, #tpu.memory_space<any>>
    %dma_start3A_29 = tpu.memref_squeeze %dma_start3A_28 : memref<25000x1x128xf32, #tpu.memory_space<any>> -> memref<25000x128xf32, #tpu.memory_space<any>>
    tpu.enqueue_dma source(%arg1 : memref<25000x128xf32, #tpu.memory_space<vmem>>) target(%dma_start3A_29 : memref<25000x128xf32, #tpu.memory_space<any>>) target_semaphore(%arg3 : memref<!tpu.dma_semaphore, #tpu.memory_space<semaphore_mem>>)
    %dma_start3A_30 = arith.constant 4 : i32
    %dma_start3A_31 = arith.constant 0 : i32
    %dma_start3A_32 = tpu.memref_slice %arg2[%mul3A_8, %dma_start3A_30, %dma_start3A_31] : memref<100000x8x128xf32, #tpu.memory_space<any>> -> memref<25000x1x128xf32, #tpu.memory_space<any>>
    %dma_start3A_33 = tpu.memref_squeeze %dma_start3A_32 : memref<25000x1x128xf32, #tpu.memory_space<any>> -> memref<25000x128xf32, #tpu.memory_space<any>>
    tpu.enqueue_dma source(%arg1 : memref<25000x128xf32, #tpu.memory_space<vmem>>) target(%dma_start3A_33 : memref<25000x128xf32, #tpu.memory_space<any>>) target_semaphore(%arg3 : memref<!tpu.dma_semaphore, #tpu.memory_space<semaphore_mem>>)
    %dma_start3A_34 = arith.constant 5 : i32
    %dma_start3A_35 = arith.constant 0 : i32
    %dma_start3A_36 = tpu.memref_slice %arg2[%mul3A_10, %dma_start3A_34, %dma_start3A_35] : memref<100000x8x128xf32, #tpu.memory_space<any>> -> memref<25000x1x128xf32, #tpu.memory_space<any>>
    %dma_start3A_37 = tpu.memref_squeeze %dma_start3A_36 : memref<25000x1x128xf32, #tpu.memory_space<any>> -> memref<25000x128xf32, #tpu.memory_space<any>>
    tpu.enqueue_dma source(%arg1 : memref<25000x128xf32, #tpu.memory_space<vmem>>) target(%dma_start3A_37 : memref<25000x128xf32, #tpu.memory_space<any>>) target_semaphore(%arg3 : memref<!tpu.dma_semaphore, #tpu.memory_space<semaphore_mem>>)
    %dma_start3A_38 = arith.constant 6 : i32
    %dma_start3A_39 = arith.constant 0 : i32
    %dma_start3A_40 = tpu.memref_slice %arg2[%mul3A_12, %dma_start3A_38, %dma_start3A_39] : memref<100000x8x128xf32, #tpu.memory_space<any>> -> memref<25000x1x128xf32, #tpu.memory_space<any>>
    %dma_start3A_41 = tpu.memref_squeeze %dma_start3A_40 : memref<25000x1x128xf32, #tpu.memory_space<any>> -> memref<25000x128xf32, #tpu.memory_space<any>>
    tpu.enqueue_dma source(%arg1 : memref<25000x128xf32, #tpu.memory_space<vmem>>) target(%dma_start3A_41 : memref<25000x128xf32, #tpu.memory_space<any>>) target_semaphore(%arg3 : memref<!tpu.dma_semaphore, #tpu.memory_space<semaphore_mem>>)
    %dma_start3A_42 = arith.constant 7 : i32
    %dma_start3A_43 = arith.constant 0 : i32
    %dma_start3A_44 = tpu.memref_slice %arg2[%mul3A_14, %dma_start3A_42, %dma_start3A_43] : memref<100000x8x128xf32, #tpu.memory_space<any>> -> memref<25000x1x128xf32, #tpu.memory_space<any>>
    %dma_start3A_45 = tpu.memref_squeeze %dma_start3A_44 : memref<25000x1x128xf32, #tpu.memory_space<any>> -> memref<25000x128xf32, #tpu.memory_space<any>>
    tpu.enqueue_dma source(%arg1 : memref<25000x128xf32, #tpu.memory_space<vmem>>) target(%dma_start3A_45 : memref<25000x128xf32, #tpu.memory_space<any>>) target_semaphore(%arg3 : memref<!tpu.dma_semaphore, #tpu.memory_space<semaphore_mem>>)
    %dma_wait3A = arith.constant 0 : i32
    %dma_wait3A_46 = arith.constant 0 : i32
    %dma_wait3A_47 = tpu.memref_slice %arg2[%mul3A_0, %dma_wait3A, %dma_wait3A_46] : memref<100000x8x128xf32, #tpu.memory_space<any>> -> memref<25000x1x128xf32, #tpu.memory_space<any>>
    %dma_wait3A_48 = tpu.memref_squeeze %dma_wait3A_47 : memref<25000x1x128xf32, #tpu.memory_space<any>> -> memref<25000x128xf32, #tpu.memory_space<any>>
    tpu.wait_dma2 semaphore(%arg3 : memref<!tpu.dma_semaphore, #tpu.memory_space<semaphore_mem>>) src(%arg1 : memref<25000x128xf32, #tpu.memory_space<vmem>>) dst(%dma_wait3A_48 : memref<25000x128xf32, #tpu.memory_space<any>>)
    %dma_wait3A_49 = arith.constant 1 : i32
    %dma_wait3A_50 = arith.constant 0 : i32
    %dma_wait3A_51 = tpu.memref_slice %arg2[%mul3A_2, %dma_wait3A_49, %dma_wait3A_50] : memref<100000x8x128xf32, #tpu.memory_space<any>> -> memref<25000x1x128xf32, #tpu.memory_space<any>>
    %dma_wait3A_52 = tpu.memref_squeeze %dma_wait3A_51 : memref<25000x1x128xf32, #tpu.memory_space<any>> -> memref<25000x128xf32, #tpu.memory_space<any>>
    tpu.wait_dma2 semaphore(%arg3 : memref<!tpu.dma_semaphore, #tpu.memory_space<semaphore_mem>>) src(%arg1 : memref<25000x128xf32, #tpu.memory_space<vmem>>) dst(%dma_wait3A_52 : memref<25000x128xf32, #tpu.memory_space<any>>)
    %dma_wait3A_53 = arith.constant 2 : i32
    %dma_wait3A_54 = arith.constant 0 : i32
    %dma_wait3A_55 = tpu.memref_slice %arg2[%mul3A_4, %dma_wait3A_53, %dma_wait3A_54] : memref<100000x8x128xf32, #tpu.memory_space<any>> -> memref<25000x1x128xf32, #tpu.memory_space<any>>
    %dma_wait3A_56 = tpu.memref_squeeze %dma_wait3A_55 : memref<25000x1x128xf32, #tpu.memory_space<any>> -> memref<25000x128xf32, #tpu.memory_space<any>>
    tpu.wait_dma2 semaphore(%arg3 : memref<!tpu.dma_semaphore, #tpu.memory_space<semaphore_mem>>) src(%arg1 : memref<25000x128xf32, #tpu.memory_space<vmem>>) dst(%dma_wait3A_56 : memref<25000x128xf32, #tpu.memory_space<any>>)
    %dma_wait3A_57 = arith.constant 3 : i32
    %dma_wait3A_58 = arith.constant 0 : i32
    %dma_wait3A_59 = tpu.memref_slice %arg2[%mul3A_6, %dma_wait3A_57, %dma_wait3A_58] : memref<100000x8x128xf32, #tpu.memory_space<any>> -> memref<25000x1x128xf32, #tpu.memory_space<any>>
    %dma_wait3A_60 = tpu.memref_squeeze %dma_wait3A_59 : memref<25000x1x128xf32, #tpu.memory_space<any>> -> memref<25000x128xf32, #tpu.memory_space<any>>
    tpu.wait_dma2 semaphore(%arg3 : memref<!tpu.dma_semaphore, #tpu.memory_space<semaphore_mem>>) src(%arg1 : memref<25000x128xf32, #tpu.memory_space<vmem>>) dst(%dma_wait3A_60 : memref<25000x128xf32, #tpu.memory_space<any>>)
    %dma_wait3A_61 = arith.constant 4 : i32
    %dma_wait3A_62 = arith.constant 0 : i32
    %dma_wait3A_63 = tpu.memref_slice %arg2[%mul3A_8, %dma_wait3A_61, %dma_wait3A_62] : memref<100000x8x128xf32, #tpu.memory_space<any>> -> memref<25000x1x128xf32, #tpu.memory_space<any>>
    %dma_wait3A_64 = tpu.memref_squeeze %dma_wait3A_63 : memref<25000x1x128xf32, #tpu.memory_space<any>> -> memref<25000x128xf32, #tpu.memory_space<any>>
    tpu.wait_dma2 semaphore(%arg3 : memref<!tpu.dma_semaphore, #tpu.memory_space<semaphore_mem>>) src(%arg1 : memref<25000x128xf32, #tpu.memory_space<vmem>>) dst(%dma_wait3A_64 : memref<25000x128xf32, #tpu.memory_space<any>>)
    %dma_wait3A_65 = arith.constant 5 : i32
    %dma_wait3A_66 = arith.constant 0 : i32
    %dma_wait3A_67 = tpu.memref_slice %arg2[%mul3A_10, %dma_wait3A_65, %dma_wait3A_66] : memref<100000x8x128xf32, #tpu.memory_space<any>> -> memref<25000x1x128xf32, #tpu.memory_space<any>>
    %dma_wait3A_68 = tpu.memref_squeeze %dma_wait3A_67 : memref<25000x1x128xf32, #tpu.memory_space<any>> -> memref<25000x128xf32, #tpu.memory_space<any>>
    tpu.wait_dma2 semaphore(%arg3 : memref<!tpu.dma_semaphore, #tpu.memory_space<semaphore_mem>>) src(%arg1 : memref<25000x128xf32, #tpu.memory_space<vmem>>) dst(%dma_wait3A_68 : memref<25000x128xf32, #tpu.memory_space<any>>)
    %dma_wait3A_69 = arith.constant 6 : i32
    %dma_wait3A_70 = arith.constant 0 : i32
    %dma_wait3A_71 = tpu.memref_slice %arg2[%mul3A_12, %dma_wait3A_69, %dma_wait3A_70] : memref<100000x8x128xf32, #tpu.memory_space<any>> -> memref<25000x1x128xf32, #tpu.memory_space<any>>
    %dma_wait3A_72 = tpu.memref_squeeze %dma_wait3A_71 : memref<25000x1x128xf32, #tpu.memory_space<any>> -> memref<25000x128xf32, #tpu.memory_space<any>>
    tpu.wait_dma2 semaphore(%arg3 : memref<!tpu.dma_semaphore, #tpu.memory_space<semaphore_mem>>) src(%arg1 : memref<25000x128xf32, #tpu.memory_space<vmem>>) dst(%dma_wait3A_72 : memref<25000x128xf32, #tpu.memory_space<any>>)
    %dma_wait3A_73 = arith.constant 7 : i32
    %dma_wait3A_74 = arith.constant 0 : i32
    %dma_wait3A_75 = tpu.memref_slice %arg2[%mul3A_14, %dma_wait3A_73, %dma_wait3A_74] : memref<100000x8x128xf32, #tpu.memory_space<any>> -> memref<25000x1x128xf32, #tpu.memory_space<any>>
    %dma_wait3A_76 = tpu.memref_squeeze %dma_wait3A_75 : memref<25000x1x128xf32, #tpu.memory_space<any>> -> memref<25000x128xf32, #tpu.memory_space<any>>
    tpu.wait_dma2 semaphore(%arg3 : memref<!tpu.dma_semaphore, #tpu.memory_space<semaphore_mem>>) src(%arg1 : memref<25000x128xf32, #tpu.memory_space<vmem>>) dst(%dma_wait3A_76 : memref<25000x128xf32, #tpu.memory_space<any>>)
    return
  }
  func.func @transform_0(%arg0: i32) -> (i32, i32) {
    %c0_i32 = arith.constant 0 : i32
    %c0_i32_0 = arith.constant 0 : i32
    return %arg0, %c0_i32 : i32, i32
  }
}

</mosaic_0001>

<sc_bundles>
// kernel: kernel.4.cloned.1.call-start
scs
__scs_entry_jumppad:
0x0: {  	(pc) =	sbr.rel $0x88, $3  }
0x1: {  	(tag) =	ssettag $0x0;
	lr =	simm.s32 $0x1  }
0x2: {  	[smem:$0x3F9F] =	sst lr;
	_ =	strace $0xD0000000  }
0x3: {  	_ = 	snop  }
0x4: {  	_ = 	snop  }
0x5: {  	_ = 	snop  }
0x6: {  	_ = 	snop  }
0x7: {  	_ = 	snop  }
__scs_overlays_trampoline_lowered:
0x8: {  	[smem:$0x3FAE] =	sst s0  }
0x9: {  	[smem:$0x3FAF] =	sst s1  }
0xa: {  	[smem:$0x3FB0] =	sst s2  }
0xb: {  	[smem:$0x3FB1] =	sst s3  }
0xc: {  	[smem:$0x3FB2] =	sst s4  }
0xd: {  	[smem:$0x3FB3] =	sst s5  }
0xe: {  	[smem:$0x3FB4] =	sst s6  }
0xf: {  	[smem:$0x3FB5] =	sst s7  }
0x10: {  	[smem:$0x3FB6] =	sst s8  }
0x11: {  	[smem:$0x3FB7] =	sst s9;
	s0 =	simm.s32 @!p0 $0x0  }
0x12: {  	s1 =	sld [smem:$0x3F9D];
	s0 =	simm.s32 @p0 $0x1  }
0x13: {  	[smem:$0x3FB8] =	sst s0;
	s0 =	simm.s32 @!p1 $0x0  }
0x14: {  	s2 =	sld [smem:$0x3F9C];
	s0 =	simm.s32 @p1 $0x1  }
0x15: {  	[smem:$0x3FB9] =	sst s0;
	s0 =	simm.s32 @!p2 $0x0  }
0x16: {  	s3 =	sld [smem:$0x3FDB];
	s0 =	simm.s32 @p2 $0x1  }
0x17: {  	s4 =	simm.s32 $0x1BF5;
	[smem:$0x3FBB] =	sst s0  }
0x18: {  	s0 =	sld [smem:$0x3F9E];
	_ =	swait.ge [sflag:s4], $0x0  }
0x19: {  	s7 =	sld [smem:$0x3F9F]  }
0x1a: {  	s8 =	sadd.s32 $0xFFFFE003, lr  }
0x1b: {  	s9 =	sadd.s32 $0xFFFFFEF7, lr;
	s5 =	simm.s32 $0xFFFFFFFF;
	p2 =	slt.u32 s8, $0xFFFFF086  }
0x1c: {  	p1 =	slt.u32 s9, $0xF7A;
	s5 =	simm.s32 @!p2 $0x0  }
0x1d: {  	s5 =	simm.s32 @p1 $0x1;
	p0 =	seq.s32 s7, s2  }
0x1e: {  	s7 =	smul.u32 @!p0 $0xF7A, s2;
	p2 =	seq.s32 @!p0 s5, $0x0  }
0x1f: {  	s9 =	smul.u32 $0xF7A, s1;
	s8 =	simm.s32 @!p0 $0x1BF5;
	p2 =	por !p2, p0  }
0x20: {  	[sflag:s8] =	ssyncset.s32 @!p0 $0xFFFFF086;
	s6 =	sadd.s32 @!p0 s3, s7;
	s7 =	simm.s32 @!p0 $0x108  }
0x21: {  	s3 =	sadd.s32 s3, s9;
	s6 =	sadd.s32 @!p0 $0x88, s6;
	s7 =	simm.s32 @p2 $0x1082  }
0x22: {  	[simem:s7], [sflag:s8] =	dma.local @!p0 [hbm:s6], $0xF7A  }
0x23: {  	s9 =	sor.u32 $0xD0000000, s2;
	s6 =	simm.s32 $0x108;
	_ =	swait.ge @!p0 [sflag:s8], $0x0  }
0x24: {  	s3 =	sadd.s32 $0x88, s3;
	s6 =	simm.s32 @!p1 $0x1082;
	[sflag:s4] =	ssyncset.s32 $0xFFFFF086  }
0x25: {  	[simem:s6], [sflag:s4] =	dma.local [hbm:s3], $0xF7A  }
0x26: {  	[smem:$0x3F9F] =	sst s1;
	(tag) =	ssettag s2;
	_ =	strace s9  }
0x27: {  	s1 =	sld [smem:$0x3FAF]  }
0x28: {  	s2 =	sld [smem:$0x3FB0]  }
0x29: {  	s4 =	sld [smem:$0x3FB2]  }
0x2a: {  	p0 =	seq.s32 s5, $0x0;
	s5 =	sld [smem:$0x3FB3]  }
0x2b: {  	s6 =	sld [smem:$0x3FB4]  }
0x2c: {  	s7 =	sld [smem:$0x3FB5]  }
0x2d: {  	s3 =	simm.s32 $0x108;
	s8 =	sld [smem:$0x3FB6]  }
0x2e: {  	s3 =	simm.s32 @!p0 $0x1082;
	s9 =	sld [smem:$0x3FB7]  }
0x2f: {  	lr =	sadd.s32 s0, s3;
	s0 =	sld [smem:$0x3FAE]  }
0x30: {  	s3 =	sld [smem:$0x3FB1]  }
0x31: {  	[smem:$0x3FBA] =	sst s10  }
0x32: {  	s10 =	sld [smem:$0x3FB8];
	_ =	sdelay $0x3  }
0x33: {  	p0 =	seq.s32 s10, $0x1;
	s10 =	sld [smem:$0x3FBA];
	_ =	sdelay $0x3  }
0x34: {  	[smem:$0x3FBA] =	sst s10  }
0x35: {  	s10 =	sld [smem:$0x3FB9];
	_ =	sdelay $0x3  }
0x36: {  	p1 =	seq.s32 s10, $0x1;
	s10 =	sld [smem:$0x3FBA];
	_ =	sdelay $0x3  }
0x37: {  	[smem:$0x3FBA] =	sst s10  }
0x38: {  	s10 =	sld [smem:$0x3FBB]  }
0x39: {  	_ = 	snop;
	(pc) =	sbr.ind lr, $3  }
0x3a: {  	_ = 	snop  }
0x3b: {  	_ = 	snop  }
0x3c: {  	p2 =	seq.s32 s10, $0x1;
	s10 =	sld [smem:$0x3FBA]  }
0x3d: {  	_ =	shalt  }
0x3e: {  	_ =	shalt  }
0x3f: {  	_ =	shalt  }
0x40: {  	_ =	shalt  }
0x41: {  	_ =	shalt  }
0x42: {  	_ =	shalt  }
0x43: {  	_ =	shalt  }
0x44: {  	_ =	shalt  }
0x45: {  	_ =	shalt  }
0x46: {  	_ =	shalt  }
0x47: {  	_ =	shalt  }
0x48: {  	_ =	shalt  }
0x49: {  	_ =	shalt  }
0x4a: {  	_ =	shalt  }
0x4b: {  	_ =	shalt  }
0x4c: {  	_ =	shalt  }
0x4d: {  	_ =	shalt  }
0x4e: {  	_ =	shalt  }
0x4f: {  	_ =	shalt  }
0x50: {  	_ =	shalt  }
0x51: {  	_ =	shalt  }
0x52: {  	_ =	shalt  }
0x53: {  	_ =	shalt  }
0x54: {  	_ =	shalt  }
0x55: {  	_ =	shalt  }
0x56: {  	_ =	shalt  }
0x57: {  	_ =	shalt  }
0x58: {  	_ =	shalt  }
0x59: {  	_ =	shalt  }
0x5a: {  	_ =	shalt  }
0x5b: {  	_ =	shalt  }
0x5c: {  	_ =	shalt  }
0x5d: {  	_ =	shalt  }
0x5e: {  	_ =	shalt  }
0x5f: {  	_ =	shalt  }
0x60: {  	_ =	shalt  }
0x61: {  	_ =	shalt  }
0x62: {  	_ =	shalt  }
0x63: {  	_ =	shalt  }
0x64: {  	_ =	shalt  }
0x65: {  	_ =	shalt  }
0x66: {  	_ =	shalt  }
0x67: {  	_ =	shalt  }
0x68: {  	_ =	shalt  }
0x69: {  	_ =	shalt  }
0x6a: {  	_ =	shalt  }
0x6b: {  	_ =	shalt  }
0x6c: {  	_ =	shalt  }
0x6d: {  	_ =	shalt  }
0x6e: {  	_ =	shalt  }
0x6f: {  	_ =	shalt  }
0x70: {  	_ =	shalt  }
0x71: {  	_ =	shalt  }
0x72: {  	_ =	shalt  }
0x73: {  	_ =	shalt  }
0x74: {  	_ =	shalt  }
0x75: {  	_ =	shalt  }
0x76: {  	_ =	shalt  }
0x77: {  	_ =	shalt  }
0x78: {  	_ =	shalt  }
0x79: {  	_ =	shalt  }
0x7a: {  	_ =	shalt  }
0x7b: {  	_ =	shalt  }
0x7c: {  	_ =	shalt  }
0x7d: {  	_ =	shalt  }
0x7e: {  	_ =	shalt  }
0x7f: {  	_ =	shalt  }
0x80: {  	_ =	shalt  }
0x81: {  	_ =	shalt  }
0x82: {  	_ =	shalt  }
0x83: {  	_ =	shalt  }
0x84: {  	_ =	shalt  }
0x85: {  	_ =	shalt  }
0x86: {  	_ =	shalt  }
0x87: {  	_ =	shalt  }
.Lfunc_end0:
.L_simem_size_0:
called_computation_lowered:
.L_overlay_start_0:
0x88: {  	s2 =	sld [smem:$0x3FD9]  }
0x89: {  	s3 =	sld [smem:$0x3FFE];
	_ =	sdelay $0x1  }
0x8a: {  	s1 =	srdreg.scid  }
0x8b: {  	s0 =	sand.u32 $0x1, s1  }
0x8c: {  	s14 =	sshll.u32 s0, $0xA;
	s2 =	sadd.s32 s3, s2  }
0x8d: {  	s2 =	sadd.s32 s2, s14  }
0x8e: {  	[smem:$0x3FC6] =	sst s2  }
0x8f: {  	_ = 	snop  }
0x90: {  	s2 =	sld [smem:$0x3FD0];
	_ =	sdelay $0x2  }
0x91: {  	s15 =	simm.s32 $0xA;
	s4 =	simm.s32 $0x10  }
0x92: {  	[smem:s4], [sflag:s15] =	dma.local [hbm:s2], $0x1  }
0x93: {  	_ =	swait.eq [sflag:s15], $0x1  }
0x94: {  	[sflag:s15] =	ssyncset.done $0x0  }
0x95: {  	[sflag:s15] =	ssyncadd.s32 $0xFFFFFFFF  }
0x96: {  	s16 =	sld [smem:$0x11];
	(tm) =	ssettm $0x1  }
0x97: {  	s17 =	sld [smem:$0x3FFB];
	_ =	sdelay $0x3  }
0x98: {  	_ =	strace s17  }
0x99: {  	s3 =	sld [smem:$0x3FFC];
	_ =	sdelay $0x3  }
0x9a: {  	_ =	strace s3  }
0x9b: {  	s3 =	sld [smem:$0x3FFD];
	_ =	sdelay $0x3  }
0x9c: {  	_ =	strace s3  }
0x9d: {  	_ =	strace $0x8FFFFFFF  }
0x9e: {  	s18 =	sld [smem:$0x3FDB];
	_ =	sdelay $0x1  }
0x9f: {  	s19 =	simm.s32 $_scs_section_size  }
0xa0: {  	s5 =	simm.s32 $_size__tile_overlayer_lowered;
	s6 =	simm.s32 $_tile_overlayer_lowered  }
0xa1: {  	s22 =	simm.s32 $0x1BFF;
	s21 =	sshll.u32 s6, $0x1;
	s3 =	sadd.s32 s19, s18  }
0xa2: {  	s7 =	simm.s32 $0x0;
	s20 =	sshll.u32 s5, $0x1;
	s5 =	sadd.s32 s21, s3  }
0xa3: {  	[timem:s7], [sflag:s22] =	dma.local [hbm:s5], s20  }
0xa4: {  	_ =	swait.ge [sflag:s22], s20  }
0xa5: {  	s4 =	ssub.s32 $0x0, s20;
	[sflag:s22] =	ssyncset.done $0x0  }
0xa6: {  	[sflag:s22] =	ssyncadd.s32 s4;
	_ =	sdelay $0x1  }
0xa7: {  	s23 =	simm.s32 $0x1B8B  }
0xa8: {  	_ =	swait.ge [sflag:s23], $0x1  }
0xa9: {  	[sflag:s23] =	ssyncset.done $0x0  }
0xaa: {  	s25 =	simm.s32 $0x1B8E;
	s24 =	sld [smem:$0x3FFE];
	[sflag:s23] =	ssyncadd.s32 $0xFFFFFFFF  }
0xab: {  	s26 =	simm.s32 $execute0_lowered;
	[smem:$0x3FD2] =	sst s25  }
0xac: {  	s5 =	sshll.u32 s26, $0x1;
	_ =	strace $0x80000046;
	[dreg:$0x1] =	wrdreg $0xFFFFFFFF  }
0xad: {  	s28 =	simm.s32 $_size_execute0_lowered;
	s3 =	sadd.s32 s3, s5;
	[dreg:$0x0] =	wrdreg $0x0  }
0xae: {  	s5 =	sshll.u32 s28, $0x1;
	[dreg:$0x2] =	wrdreg s3  }
0xaf: {  	[dreg:$0x3] =	wrdreg s5  }
0xb0: {  	[dreg:$0x4] =	wrdreg $0xC0  }
0xb1: {  	_ =	task [dreg:s7], $0x5FFFF  }
0xb2: {  	[dreg:$0x1] =	wrdreg $0xFFFFFFFF  }
0xb3: {  	[dreg:$0x0] =	wrdreg $0x60  }
0xb4: {  	[dreg:$0x2] =	wrdreg s16  }
0xb5: {  	[dreg:$0x3] =	wrdreg s24  }
0xb6: {  	[dreg:$0x4] =	wrdreg $0x9  }
0xb7: {  	_ =	task.clear_ibuf [dreg:s7], $0x5FFFF;
	_ =	strace $0x90000046  }
0xb8: {  	s29 =	simm.s32 $0x9;
	_ =	strace $0x80000048  }
0xb9: {  	_ =	swait.ge [sflag:s29], $0x1  }
0xba: {  	[sflag:s29] =	ssyncadd.s32 $0xFFFFFFFF  }
0xbb: {  	_ =	strace $0x90000048  }
0xbc: {  	_ =	sfence  }
0xbd: {  	s30 =	sld [smem:$0x0];
	_ =	sdelay $0x2  }
0xbe: {  	s31 =	sshll.u32 s1, $0xD;
	s1 =	sshrl.u32 s1, $0x2  }
0xbf: {  	s3 =	sand.u32 $0x4000, s31;
	s1 =	sadd.s32 s1, s30  }
0xc0: {  	s0 =	sor.u32 s3, s0;
	s1 =	sshll.u32 s1, $0x11  }
0xc1: {  	s0 =	sor.u32 s1, s0  }
0xc2: {  	s0 =	sadd.s32 $0x8F2B, s0  }
0xc3: {  	[sflag:s0] =	ssyncadd.remote.s32 $0x1  }
0xc4: {  	_ =	sfence.sel $0xFFFF  }
0xc5: {  	[dreg:$0x0] =	wrdreg $0xFFFFFFFF;
	(pc) =	sbr.abs _section_cstart, $3  }
0xc6: {  	[dreg:$0x1] =	wrdreg $0xFFFFFFFF  }
0xc7: {  	_ =	task.clear_ibuf [dreg:s7], $0x2FFFF;
	_ =	strace $0x9FFFFFFF  }
0xc8: {  	(tm) =	ssettm $0x7FFFFFFF  }
0xc9: {  	_ =	shalt  }
tec
execute0_lowered:
.L_overlay_start_1:
0x0: {  	(tag) =	ssettag $0x1  }
0x1: {  	s1 =	rddreg [dreg:$0x0]  }
0x2: {  	s7 =	rddreg [dreg:$0x1]  }
0x3: {  	s0 =	rddreg [dreg:$0x2]  }
0x4: {  	s3 =	simm.s32 $0x0;
	s4 =	srdreg.scid;
	s2 =	stileid.u32  }
0x5: {  	s11 =	simm.s32 $0x1;
	s12 =	simm.s32 $0x208;
	s13 =	simm.s32 $0x410  }
0x6: {  	s14 =	simm.s32 $0x618;
	s15 =	simm.s32 $0x1618;
	s16 =	simm.s32 $0x2618  }
0x7: {  	s17 =	simm.s32 $0x0;
	[smem:$0x7FF] =	sst s3;
	s4 =	sand.u32 $0x1, s4  }
0x8: {  	s6 =	sshll.u32 s2, $0x1;
	s8 =	smul.u32 $0x186A, s2;
	s5 =	ssub.s32 $0x2, s4  }
0x9: {  	_ =	strace $0x80000047;
	s10 =	smul.u32 $0xC35, s4;
	s9 =	sshrl.u32 s5, $0x1  }
0xa: {  	v3 =	vlaneseq.u32;
	s6 =	sor.u32 s4, s6;
	s4 =	sadd.s32 $0x400, s7;
	s9 =	ssub.s32 s5, s9  }
0xb: {  	v0 =	vshrl.u32 v3, $0x3;
	v1 =	vshrl.u32 v3, $0x2;
	v2 =	vshrl.u32 v3, $0x1;
	s5 =	smul.u32 $0xC35, s6;
	s6 =	sadd.s32 $0x18AA0, s7;
	s8 =	sadd.s32 s10, s8  }
0xc: {  	v3 =	vand.u32 $0x1, v3;
	v1 =	vand.u32 $0x1, v1;
	v2 =	vand.u32 $0x1, v2;
	s7 =	sadd.s32 $0x31140, s7;
	s9 =	smax.u32 s9, $0x1;
	s10 =	sadd.s32 $0x412, s8  }
.LBB2_1:
0xd: {  	s18 =	simm.s32 $0x0;
	s19 =	simm.s32 $0x0  }
.LBB2_2:
0xe: {  	s20 =	sshll.u32 s19, $0x9  }
0xf: {  	s20 =	smin.u32 s20, $0xA35  }
0x10: {  	s20 =	sadd.s32 s5, s20  }
0x11: {  	s21 =	sand.u32 $0x3FFF8, s20  }
0x12: {  	s21 =	smin.u32 s21, $0x18498  }
0x13: {  	s21 =	sshrl.u32 s21, $0x3  }
0x14: {  	s22 =	smin.u32 s18, $0xA35;
	s21 =	sadd.s32 s1, s21  }
0x15: {  	[tilespmem:s3], [sflag:$0x1] =	stream.linear.gather [hbm4b:s21+s3], $0x208, $0x38;
	[tilespmem:$0x3618] =	vst v63  }
0x16: {  	s23 =	sadd.s32 s22, s8;
	_ =	swait.ge [sflag:s11], $0x208  }
0x17: {  	s22 =	sadd.s32 s22, s10;
	s23 =	sand.u32 $0x7FFF8, s23;
	[sflag:s11] =	ssyncset.done $0x0  }
0x18: {  	s23 =	smin.u32 s23, $0x18498;
	s24 =	sadd.s32 $0x30D4, s21;
	[sflag:s11] =	ssyncadd.s32 $0xFFFFFDF8  }
0x19: {  	[tilespmem:s12], [sflag:$0x1] =	stream.linear.gather [hbm4b:s24+s3], $0x208, $0x38;
	[tilespmem:$0x3618] =	vst v63  }
0x1a: {  	s23 =	ssub.s32 s22, s23;
	_ =	swait.ge [sflag:s11], $0x208  }
0x1b: {  	s22 =	sadd.s32 $0xFFFFFBEE, s23;
	[sflag:s11] =	ssyncset.done $0x0  }
0x1c: {  	v4 =	vadd.s32 s22, v0;
	s21 =	sadd.s32 $0x61A8, s21;
	[sflag:s11] =	ssyncadd.s32 $0xFFFFFDF8  }
0x1d: {  	[tilespmem:s13], [sflag:$0x1] =	stream.linear.gather [hbm4b:s21+s3], $0x208, $0x38;
	[tilespmem:$0x3618] =	vst v63  }
0x1e: {  	_ =	swait.ge [sflag:s11], $0x208  }
0x1f: {  	[sflag:s11] =	ssyncset.done $0x0  }
0x20: {  	[sflag:s11] =	ssyncadd.s32 $0xFFFFFDF8  }
0x21: {  	v4 =	vld.idx.msk [tilespmem:v4+s3+$0x0], $0xffff;
	_ =	sdelay $0x1  }
0x22: {  	s28 =	sadd.s32 $0xFFFFFDF6, s23  }
0x23: {  	v5 =	vadd.s32 s28, v0;
	_ =	sdelay $0x1  }
0x24: {  	v4 =	vshll.u32 v4, $0x1  }
0x25: {  	s21 =	simm.s32 $0x1628;
	v4 =	vor.u32 v1, v4  }
0x26: {  	[tilespmem:s21+$0xFFFFEFF0] =	vst v4  }
0x27: {  	v4 =	vld.idx.msk [tilespmem:v5+s3+$0x0], $0xffff;
	_ =	sdelay $0x1  }
0x28: {  	s29 =	sadd.s32 $0xFFFFFFFE, s23  }
0x29: {  	v5 =	vadd.s32 s29, v0;
	_ =	sdelay $0x1  }
0x2a: {  	v4 =	vshll.u32 v4, $0x1  }
0x2b: {  	v4 =	vor.u32 v2, v4  }
0x2c: {  	[tilespmem:s21+$0xFFFFFFF0] =	vst v4  }
0x2d: {  	v4 =	vld.idx.msk [tilespmem:v5+s3+$0x0], $0xffff;
	_ =	sdelay $0x1  }
0x2e: {  	s30 =	sadd.s32 $0xFFFFFBF0, s23  }
0x2f: {  	v5 =	vadd.s32 s30, v0;
	_ =	sdelay $0x1  }
0x30: {  	v4 =	vshll.u32 v4, $0x1  }
0x31: {  	v4 =	vor.u32 v3, v4  }
0x32: {  	[tilespmem:s21+$0xFF0] =	vst v4  }
0x33: {  	v4 =	vld.idx.msk [tilespmem:v5+s3+$0x0], $0xffff;
	_ =	sdelay $0x1  }
0x34: {  	s31 =	sadd.s32 $0xFFFFFDF8, s23  }
0x35: {  	v5 =	vadd.s32 s31, v0;
	_ =	sdelay $0x1  }
0x36: {  	v4 =	vshll.u32 v4, $0x1  }
0x37: {  	v4 =	vor.u32 v1, v4  }
0x38: {  	[tilespmem:s21+$0xFFFFF000] =	vst v4  }
0x39: {  	v4 =	vld.idx.msk [tilespmem:v5+s3+$0x0], $0xffff;
	_ =	sdelay $0x2  }
0x3a: {  	v5 =	vadd.s32 s23, v0;
	_ =	sdelay $0x1  }
0x3b: {  	v4 =	vshll.u32 v4, $0x1  }
0x3c: {  	v4 =	vor.u32 v2, v4  }
0x3d: {  	[tilespmem:s21+$0x0] =	vst v4  }
0x3e: {  	v4 =	vld.idx.msk [tilespmem:v5+s3+$0x0], $0xffff  }
0x3f: {  	s22 =	simm.s32 $0x0;
	s23 =	sadd.s32 $0x4, s23  }
.LBB2_3:
0x40: {  	s24 =	sadd.s32 $0xFFFFFBEE, s23;
	s22 =	sadd.s32 $0x2, s22  }
0x41: {  	v5 =	vadd.s32 s24, v0;
	p0 =	slt.u32 s22, $0xFE;
	_ =	sdelay $0x1  }
0x42: {  	v4 =	vshll.u32 v4, $0x1  }
0x43: {  	v4 =	vor.u32 v3, v4  }
0x44: {  	[tilespmem:s21+$0x1000] =	vst v4  }
0x45: {  	v4 =	vld.idx.msk [tilespmem:v5+s3+$0x0], $0xffff;
	_ =	sdelay $0x2  }
0x46: {  	s24 =	sadd.s32 $0xFFFFFDF6, s23  }
0x47: {  	v5 =	vadd.s32 s24, v0;
	_ =	sdelay $0x1  }
0x48: {  	v4 =	vshll.u32 v4, $0x1  }
0x49: {  	s21 =	sadd.s32 $0x20, s21;
	v4 =	vor.u32 v1, v4  }
0x4a: {  	[tilespmem:s21+$0xFFFFEFF0] =	vst v4  }
0x4b: {  	v4 =	vld.idx.msk [tilespmem:v5+s3+$0x0], $0xffff;
	_ =	sdelay $0x2  }
0x4c: {  	s24 =	sadd.s32 $0xFFFFFFFE, s23  }
0x4d: {  	v5 =	vadd.s32 s24, v0;
	_ =	sdelay $0x1  }
0x4e: {  	v4 =	vshll.u32 v4, $0x1  }
0x4f: {  	v4 =	vor.u32 v2, v4  }
0x50: {  	[tilespmem:s21+$0xFFFFFFF0] =	vst v4  }
0x51: {  	v4 =	vld.idx.msk [tilespmem:v5+s3+$0x0], $0xffff;
	_ =	sdelay $0x2  }
0x52: {  	s24 =	sadd.s32 $0xFFFFFBF0, s23  }
0x53: {  	v5 =	vadd.s32 s24, v0;
	_ =	sdelay $0x1  }
0x54: {  	v4 =	vshll.u32 v4, $0x1  }
0x55: {  	v4 =	vor.u32 v3, v4  }
0x56: {  	[tilespmem:s21+$0xFF0] =	vst v4  }
0x57: {  	v4 =	vld.idx.msk [tilespmem:v5+s3+$0x0], $0xffff;
	_ =	sdelay $0x2  }
0x58: {  	s24 =	sadd.s32 $0xFFFFFDF8, s23  }
0x59: {  	v5 =	vadd.s32 s24, v0;
	_ =	sdelay $0x1  }
0x5a: {  	v4 =	vshll.u32 v4, $0x1  }
0x5b: {  	v4 =	vor.u32 v1, v4  }
0x5c: {  	[tilespmem:s21+$0xFFFFF000] =	vst v4  }
0x5d: {  	v4 =	vld.idx.msk [tilespmem:v5+s3+$0x0], $0xffff;
	_ =	sdelay $0x3  }
0x5e: {  	v5 =	vadd.s32 s23, v0;
	_ =	sdelay $0x1  }
0x5f: {  	v4 =	vshll.u32 v4, $0x1  }
.Ltmp0:
0x60: {  	v4 =	vor.u32 v2, v4;
	(pc) =	sbr.rel @p0 .LBB2_3-.Ltmp0, $3  }
0x61: {  	[tilespmem:s21+$0x0] =	vst v4  }
0x62: {  	v4 =	vld.idx.msk [tilespmem:v5+s3+$0x0], $0xffff;
	_ =	sdelay $0x1  }
0x63: {  	s23 =	sadd.s32 $0x4, s23  }
0x64: {  	_ =	sdelay $0x1  }
0x65: {  	v4 =	vshll.u32 v4, $0x1  }
0x66: {  	v4 =	vor.u32 v3, v4  }
0x67: {  	s29 =	sadd.s32 s4, s20;
	[tilespmem:s21+$0x1000] =	vst v4  }
0x68: {  	[hbm4b:s29+s3] =	stream.linear.scatter [tilespmem:s14], [sflag:$0x1], $0x1000, $0x38;
	[tilespmem:$0x3618] =	vst v63  }
0x69: {  	_ =	swait.ge [sflag:s11], $0x1000  }
0x6a: {  	[sflag:s11] =	ssyncset.done $0x0  }
0x6b: {  	s30 =	sadd.s32 s20, s6;
	[sflag:s11] =	ssyncadd.s32 $0xFFFFF000  }
0x6c: {  	[hbm4b:s30+s3] =	stream.linear.scatter [tilespmem:s15], [sflag:$0x1], $0x1000, $0x38;
	[tilespmem:$0x3618] =	vst v63  }
0x6d: {  	s19 =	sadd.s32 $0x1, s19;
	_ =	swait.ge [sflag:s11], $0x1000  }
0x6e: {  	p0 =	sne.s32 s19, $0x7;
	[sflag:s11] =	ssyncset.done $0x0  }
.Ltmp1:
0x6f: {  	s31 =	sadd.s32 s20, s7;
	[sflag:s11] =	ssyncadd.s32 $0xFFFFF000;
	(pc) =	sbr.rel @p0 .LBB2_2-.Ltmp1, $4  }
0x70: {  	[hbm4b:s31+s3] =	stream.linear.scatter [tilespmem:s16], [sflag:$0x1], $0x1000, $0x38;
	[tilespmem:$0x3618] =	vst v63  }
0x71: {  	_ =	swait.ge [sflag:s11], $0x1000  }
0x72: {  	[sflag:s11] =	ssyncset.done $0x0  }
0x73: {  	s18 =	sadd.s32 $0x200, s18;
	[sflag:s11] =	ssyncadd.s32 $0xFFFFF000  }
0x74: {  	s17 =	sadd.s32 $0x1, s17  }
0x75: {  	p0 =	sne.s32 s17, s9  }
.Ltmp2:
0x76: {  	_ = 	snop;
	(pc) =	sbr.rel @p0 .LBB2_1-.Ltmp2, $1  }
0x77: {  	_ =	sdelay $0x3  }
0x78: {  	_ =	sfence.sel $0x180000  }
0x79: {  	[bflag:$0x0] =	sbarrier.arrive $0xFFFF  }
0x7a: {  	p0 =	sne.s32 s2, $0x0;
	_ =	strace $0x90000047  }
0x7b: {  	s0 =	sadd.s32 @!p0 $0x100000, s0;
	[bflag:$0x2] =	sbarrier.arrive $0xFFFF  }
0x7c: {  	[sflag:s0] =	ssyncadd.tile.s32 @!p0 $0x1;
	_ =	shalt  }
.Lfunc_end2:
_tile_overlayer_lowered:
.L_overlay_start_2:
0x7d: {  	(tag) =	ssettag $0x2  }
0x7e: {  	s0 =	rddreg [dreg:$0x0];
	s2 =	stileid.u32  }
0x7f: {  	s1 =	rddreg [dreg:$0x1];
	p0 =	sne.s32 s2, $0x0  }
0x80: {  	s3 =	rddreg [dreg:$0x2];
	[bflag:$0x3] =	sbarrier.arrive $0xFFFF;
	s2 =	simm.s32 @!p0 $0x1C01  }
0x81: {  	[timem:s3], [sflag:s2] =	dma.local @!p0 [hbm:s0], s1  }
0x82: {  	s0 =	simm.s32 @!p0 $0x1  }
0x83: {  	_ =	swait.ge @!p0 [sflag:s0], s1  }
0x84: {  	s1 =	ssub.s32 @!p0 $0x0, s1;
	[sflag:s0] =	ssyncset.done @!p0 $0x0  }
0x85: {  	[sflag:s0] =	ssyncadd.s32 @!p0 s1  }
0x86: {  	[bflag:$0x3] =	sbarrier.arrive $0xFFFF  }
0x87: {  	_ =	shalt  }

</sc_bundles>
